<compile_context>
chip_gen: v7x
topology: tpu7x:2x2x1
jax: 0.10.2.dev20260603
libtpu: 0.0.44.dev20260713+nightly
codegen_flags: <defaults>
</compile_context>

<pallas_src>
import functools

import jax
import jax.numpy as jnp
from jax import lax
from jax.experimental import pallas as pl
from jax.experimental.pallas import tpu as pltpu
from jax.experimental.pallas import tpu_sc as plsc

_BATCH = 128
_K = 8
_RPW = 16
_NW = _BATCH // _RPW
_SEG = _RPW * _K
_PACK = 3 * _SEG + _RPW
_OUT_W = _RPW * (_K + 1)


def _sc_body(nc, packed_hbm, out_hbm, part_hbm, buf, out_v, part_v):
    c = lax.axis_index("c")
    s = lax.axis_index("s")
    wid = s * nc + c

    @pl.when(wid < _NW)
    def _():
        pltpu.sync_copy(packed_hbm.at[pl.ds(wid * _PACK, _PACK)], buf)

        rows = lax.iota(jnp.int32, 16)
        in_base = rows * _K
        out_base = rows * (_K + 1)

        def step(j, carry):
            pref, limits, acc_tot = carry
            idx = in_base + j
            a = plsc.load_gather(buf, [idx])
            d = plsc.load_gather(buf, [idx + _SEG])
            sb = plsc.load_gather(buf, [idx + 2 * _SEG])
            am = pref * a
            af = pref - am
            oj = am * d + af * sb + (am + af - 1)
            plsc.store_scatter(out_v, [out_base + j], oj)
            return am, limits + am, acc_tot + a

        ones = jnp.ones((16,), jnp.int32)
        zeros = jnp.zeros((16,), jnp.int32)
        pref, limits, acc_tot = lax.fori_loop(0, _K, step, (ones, zeros, zeros))

        b = buf[pl.ds(3 * _SEG, _RPW)]
        o_bonus = pref * b + (pref - 1)
        plsc.store_scatter(out_v, [out_base + _K], o_bonus)
        pltpu.sync_copy(out_v, out_hbm.at[pl.ds(wid * _OUT_W, _OUT_W)])

        pa = jnp.sum(acc_tot)
        pg = jnp.sum(limits)
        pvec = jnp.where(rows == 0, pa, jnp.where(rows == 1, pg, 0))
        part_v[...] = pvec
        pltpu.sync_copy(part_v, part_hbm.at[pl.ds(wid * 16, 16)])


def kernel(accepted, substitute_token_ids, draft_token_ids, bonus_token_ids,
           total_num_seqs):
    del total_num_seqs
    packed = jnp.concatenate(
        [
            accepted.astype(jnp.int32).reshape(_NW, _SEG),
            draft_token_ids.reshape(_NW, _SEG),
            substitute_token_ids.reshape(_NW, _SEG),
            bonus_token_ids.reshape(_NW, _RPW),
        ],
        axis=1,
    ).reshape(_NW * _PACK)

    info = plsc.get_sparse_core_info()
    nc = info.num_cores
    mesh = plsc.VectorSubcoreMesh(core_axis_name="c", subcore_axis_name="s")

    run = pl.kernel(
        functools.partial(_sc_body, nc),
        out_type=[
            jax.ShapeDtypeStruct((_BATCH * (_K + 1),), jnp.int32),
            jax.ShapeDtypeStruct((_NW * 16,), jnp.int32),
        ],
        mesh=mesh,
        scratch_types=[
            pltpu.VMEM((_PACK,), jnp.int32),
            pltpu.VMEM((_OUT_W,), jnp.int32),
            pltpu.VMEM((16,), jnp.int32),
        ],
        compiler_params=pltpu.CompilerParams(needs_layout_passes=False),
        name="spec_decode_sampler_patch_sc",
    )
    out_flat, partials = run(packed)

    out_tokens = out_flat.reshape(_BATCH, _K + 1)
    partials = partials.reshape(_NW, 16)
    num_accepted = partials[:, 0].sum()
    num_good_draft = partials[:, 1].sum()
    num_emitted = num_good_draft + jnp.int32(_BATCH)
    return out_tokens, num_accepted, num_good_draft, num_emitted

# --- scband reference (transcript-rebuilt; emitter-appended) ---
"""Pipeline reference for scband-spec-decode-base-sampler-patch-37967510896990 (READ-ONLY COPY).

The authoritative reference and input builder live on the scoring server;
editing this copy changes nothing except your own understanding.
"""

import jax, jax.numpy as jnp
import numpy as np


def setup_inputs(seed: int = 0):
    key = jax.random.key(seed)
    k1, k2, k3, k4 = jax.random.split(key, 4)
    batch, k = 128, 8
    vocab = 32000
    accepted = jax.random.randint(k1, (batch, k), 0, 2).astype(bool)
    substitute_token_ids = jax.random.randint(k2, (batch, k), 0, vocab).astype(jnp.int64 if jax.config.read('jax_enable_x64') else jnp.int32)
    draft_token_ids = jax.random.randint(k3, (batch, k), 0, vocab).astype(substitute_token_ids.dtype)
    bonus_token_ids = jax.random.randint(k4, (batch, 1), 0, vocab).astype(substitute_token_ids.dtype)
    return {
        'accepted': accepted,
        'substitute_token_ids': substitute_token_ids,
        'draft_token_ids': draft_token_ids,
        'bonus_token_ids': bonus_token_ids,
        'total_num_seqs': 128,
    }


def reference(accepted, substitute_token_ids, draft_token_ids, bonus_token_ids, total_num_seqs):
    # Faithful port of SpecDecodeBaseSamplerPatch._create_output (proposal_lens_list=None path).
    batch_size, k = substitute_token_ids.shape
    bonus = bonus_token_ids[:, 0]  # squeeze(-1)
    not_acc = (accepted == 0)
    # limits = first index where accepted==0, else k (torch max(1).indices on bool == argmax of first True)
    limits = jnp.argmax(not_acc, axis=1)
    limits = jnp.where(not_acc.any(axis=1), limits, k)
    indices = jnp.arange(k)[None, :]
    accepted_mask = indices < limits[:, None]
    after_false_mask = indices == limits[:, None]
    neg1 = -jnp.ones_like(draft_token_ids)
    output = jnp.where(accepted_mask, draft_token_ids, neg1)
    # Bonus column is decided BEFORE the substitute write-in (output here is pre-substitution view).
    bonus_col = jnp.where(output[:, -1] != -1, bonus, -jnp.ones_like(bonus))
    # output.mul_(~after_false_mask).add_(substitute_token_ids.mul(after_false_mask))
    output = output * (~after_false_mask).astype(output.dtype) + substitute_token_ids * after_false_mask.astype(output.dtype)
    output_with_bonus_tokens = jnp.concatenate([output, bonus_col[:, None]], axis=1)
    # Counter updates (side effects in the torch module), returned for completeness.
    num_accepted = accepted.sum()
    num_good_draft = limits.sum()
    num_emitted = (output_with_bonus_tokens != -1).sum()
    return output_with_bonus_tokens, num_accepted, num_good_draft, num_emitted

if __name__ == "__main__":
    import jax
    _d = setup_inputs()
    print(jax.jit(kernel)(*tuple(_d.values())))

</pallas_src>

<mosaic_0001>
#map = affine_map<(d0, d1) -> (0)>
module attributes {stable_mosaic.version = 14 : i64} {
  func.func @spec_decode_sampler_patch_sc(%arg0: i32, %arg1: i32, %arg2: memref<3200xi32, #tpu.memory_space<hbm>>, %arg3: memref<1152xi32, #tpu.memory_space<hbm>>, %arg4: memref<128xi32, #tpu.memory_space<hbm>>, %arg5: memref<400xi32, #tpu.memory_space<vmem>>, %arg6: memref<144xi32, #tpu.memory_space<vmem>>, %arg7: memref<16xi32, #tpu.memory_space<vmem>>) attributes {dimension_semantics = [#tpu.dimension_semantics<core_parallel>, #tpu.dimension_semantics<subcore_parallel>], iteration_bounds = array<i64: 2, 16>, scalar_prefetch = 0 : i64, scratch_operands = 3 : i64, tpu.core_type = #tpu.core_type<sc_vector_subcore>, window_params = [{transform_indices = #map}, {transform_indices = #map}, {transform_indices = #map}]} {
    %mul3A = arith.constant 2 : i32
    %mul3A_0 = arith.muli %arg1, %mul3A : i32
    %add3A = arith.addi %mul3A_0, %arg0 : i32
    %lt3A = arith.constant 8 : i32
    %lt3A_1 = arith.cmpi slt, %add3A, %lt3A : i32
    %convert_element_type3A = arith.extui %lt3A_1 : i1 to i32
    %cond3A = arith.constant 0 : i32
    %cond3A_2 = arith.cmpi ne, %convert_element_type3A, %cond3A : i32
    scf.if %cond3A_2 {
      %mul3A_3 = arith.constant 400 : i32
      %mul3A_4 = arith.muli %add3A, %mul3A_3 : i32
      "tpu.region"() ({
        %run_scoped3A = tpu.sem_alloc : memref<!tpu.dma_semaphore, #tpu.memory_space<semaphore_mem>>
        %dma_start3A = tpu.memref_slice %arg2[%mul3A_4] : memref<3200xi32, #tpu.memory_space<hbm>> -> memref<400xi32, #tpu.memory_space<hbm>>
        %dma_start3A_48 = tpu.memref_slice %arg2[%mul3A_4] : memref<3200xi32, #tpu.memory_space<hbm>> -> memref<400xi32, #tpu.memory_space<hbm>>
        tpu.enqueue_dma source(%dma_start3A_48 : memref<400xi32, #tpu.memory_space<hbm>>) target(%arg5 : memref<400xi32, #tpu.memory_space<vmem>>) target_semaphore(%run_scoped3A : memref<!tpu.dma_semaphore, #tpu.memory_space<semaphore_mem>>)
        %dma_wait3A = tpu.memref_slice %arg2[%mul3A_4] : memref<3200xi32, #tpu.memory_space<hbm>> -> memref<400xi32, #tpu.memory_space<hbm>>
        %dma_wait3A_49 = tpu.memref_slice %arg2[%mul3A_4] : memref<3200xi32, #tpu.memory_space<hbm>> -> memref<400xi32, #tpu.memory_space<hbm>>
        tpu.wait_dma2 semaphore(%run_scoped3A : memref<!tpu.dma_semaphore, #tpu.memory_space<semaphore_mem>>) src(%dma_wait3A_49 : memref<400xi32, #tpu.memory_space<hbm>>) dst(%arg5 : memref<400xi32, #tpu.memory_space<vmem>>)
        tpu.yield
      }) : () -> ()
      %iota3A = tpu.iota {dimensions = array<i32: 0>} : vector<16xi32>
      %mul3A_5 = arith.constant 8 : i32
      %mul3A_6 = vector.broadcast %mul3A_5 : i32 to vector<16xi32>
      %mul3A_7 = arith.muli %iota3A, %mul3A_6 : vector<16xi32>
      %mul3A_8 = arith.constant 9 : i32
      %mul3A_9 = vector.broadcast %mul3A_8 : i32 to vector<16xi32>
      %mul3A_10 = arith.muli %iota3A, %mul3A_9 : vector<16xi32>
      %broadcast_in_dim3A = arith.constant 1 : i32
      %broadcast_in_dim3A_11 = vector.broadcast %broadcast_in_dim3A : i32 to vector<16xi32>
      %broadcast_in_dim3A_12 = arith.constant 0 : i32
      %broadcast_in_dim3A_13 = vector.broadcast %broadcast_in_dim3A_12 : i32 to vector<16xi32>
      %scan3A = arith.constant 0 : i32
      %scan3A_14 = arith.constant 8 : i32
      %scan3A_15 = arith.addi %scan3A, %scan3A_14 : i32
      %scan3A_16 = arith.constant 1 : i32
      %scan3A_17:3 = scf.for %scan3A_48 = %scan3A to %scan3A_15 step %scan3A_16 iter_args(%scan3A_49 = %broadcast_in_dim3A_11, %scan3A_50 = %broadcast_in_dim3A_13, %scan3A_51 = %broadcast_in_dim3A_13) -> (vector<16xi32>, vector<16xi32>, vector<16xi32>)  : i32 {
        %add3A_52 = vector.broadcast %scan3A_48 : i32 to vector<16xi32>
        %add3A_53 = arith.addi %mul3A_7, %add3A_52 : vector<16xi32>
        %gather3A = tpu.vector_load_idx %arg5[%add3A_53] : memref<400xi32, #tpu.memory_space<vmem>>[vector<16xi32>], vector<16xi32>,
        %add3A_54 = arith.constant 128 : i32
        %add3A_55 = vector.broadcast %add3A_54 : i32 to vector<16xi32>
        %add3A_56 = arith.addi %add3A_53, %add3A_55 : vector<16xi32>
        %gather3A_57 = tpu.vector_load_idx %arg5[%add3A_56] : memref<400xi32, #tpu.memory_space<vmem>>[vector<16xi32>], vector<16xi32>,
        %add3A_58 = arith.constant 256 : i32
        %add3A_59 = vector.broadcast %add3A_58 : i32 to vector<16xi32>
        %add3A_60 = arith.addi %add3A_53, %add3A_59 : vector<16xi32>
        %gather3A_61 = tpu.vector_load_idx %arg5[%add3A_60] : memref<400xi32, #tpu.memory_space<vmem>>[vector<16xi32>], vector<16xi32>,
        %mul3A_62 = arith.muli %scan3A_49, %gather3A : vector<16xi32>
        %sub3A_63 = arith.subi %scan3A_49, %mul3A_62 : vector<16xi32>
        %mul3A_64 = arith.muli %mul3A_62, %gather3A_57 : vector<16xi32>
        %mul3A_65 = arith.muli %sub3A_63, %gather3A_61 : vector<16xi32>
        %add3A_66 = arith.addi %mul3A_64, %mul3A_65 : vector<16xi32>
        %add3A_67 = arith.addi %mul3A_62, %sub3A_63 : vector<16xi32>
        %sub3A_68 = arith.constant 1 : i32
        %sub3A_69 = vector.broadcast %sub3A_68 : i32 to vector<16xi32>
        %sub3A_70 = arith.subi %add3A_67, %sub3A_69 : vector<16xi32>
        %add3A_71 = arith.addi %add3A_66, %sub3A_70 : vector<16xi32>
        %add3A_72 = vector.broadcast %scan3A_48 : i32 to vector<16xi32>
        %add3A_73 = arith.addi %mul3A_10, %add3A_72 : vector<16xi32>
        tpu.vector_store_idx %arg6[%add3A_73], %add3A_71 : memref<144xi32, #tpu.memory_space<vmem>>[vector<16xi32>], vector<16xi32>,
        %add3A_74 = arith.addi %scan3A_50, %mul3A_62 : vector<16xi32>
        %add3A_75 = arith.addi %scan3A_51, %gather3A : vector<16xi32>
        scf.yield %mul3A_62, %add3A_74, %add3A_75 : vector<16xi32>, vector<16xi32>, vector<16xi32>
      }
      %scan3A_18 = arith.constant 8 : i32
      %get3A = arith.constant 384 : index
      %get3A_19 = tpu.vector_load %arg5[%get3A] {strides = array<i32>} : memref<400xi32, #tpu.memory_space<vmem>>, vector<16xi32>,
      %mul3A_20 = arith.muli %scan3A_17#0, %get3A_19 : vector<16xi32>
      %sub3A = arith.constant 1 : i32
      %sub3A_21 = vector.broadcast %sub3A : i32 to vector<16xi32>
      %sub3A_22 = arith.subi %scan3A_17#0, %sub3A_21 : vector<16xi32>
      %add3A_23 = arith.addi %mul3A_20, %sub3A_22 : vector<16xi32>
      %add3A_24 = arith.constant 8 : i32
      %add3A_25 = vector.broadcast %add3A_24 : i32 to vector<16xi32>
      %add3A_26 = arith.addi %mul3A_10, %add3A_25 : vector<16xi32>
      tpu.vector_store_idx %arg6[%add3A_26], %add3A_23 : memref<144xi32, #tpu.memory_space<vmem>>[vector<16xi32>], vector<16xi32>,
      %mul3A_27 = arith.constant 144 : i32
      %mul3A_28 = arith.muli %add3A, %mul3A_27 : i32
      "tpu.region"() ({
        %run_scoped3A = tpu.sem_alloc : memref<!tpu.dma_semaphore, #tpu.memory_space<semaphore_mem>>
        %dma_start3A = tpu.memref_slice %arg3[%mul3A_28] : memref<1152xi32, #tpu.memory_space<hbm>> -> memref<144xi32, #tpu.memory_space<hbm>>
        %dma_start3A_48 = tpu.memref_slice %arg3[%mul3A_28] : memref<1152xi32, #tpu.memory_space<hbm>> -> memref<144xi32, #tpu.memory_space<hbm>>
        tpu.enqueue_dma source(%arg6 : memref<144xi32, #tpu.memory_space<vmem>>) target(%dma_start3A_48 : memref<144xi32, #tpu.memory_space<hbm>>) target_semaphore(%run_scoped3A : memref<!tpu.dma_semaphore, #tpu.memory_space<semaphore_mem>>)
        %dma_wait3A = tpu.memref_slice %arg3[%mul3A_28] : memref<1152xi32, #tpu.memory_space<hbm>> -> memref<144xi32, #tpu.memory_space<hbm>>
        %dma_wait3A_49 = tpu.memref_slice %arg3[%mul3A_28] : memref<1152xi32, #tpu.memory_space<hbm>> -> memref<144xi32, #tpu.memory_space<hbm>>
        tpu.wait_dma2 semaphore(%run_scoped3A : memref<!tpu.dma_semaphore, #tpu.memory_space<semaphore_mem>>) src(%arg6 : memref<144xi32, #tpu.memory_space<vmem>>) dst(%dma_wait3A_49 : memref<144xi32, #tpu.memory_space<hbm>>)
        tpu.yield
      }) : () -> ()
      %reduce_sum3A = arith.constant true
      %reduce_sum3A_29 = vector.broadcast %reduce_sum3A : i1 to vector<16xi1>
      %reduce_sum3A_30 = tpu.scan <sum>, %scan3A_17#2 masked %reduce_sum3A_29 : vector<16xi32>, vector<16xi1> -> vector<16xi32>
      %reduce_sum3A_31 = vector.extract %reduce_sum3A_30[15] : i32 from vector<16xi32>
      %reduce_sum3A_32 = arith.constant true
      %reduce_sum3A_33 = vector.broadcast %reduce_sum3A_32 : i1 to vector<16xi1>
      %reduce_sum3A_34 = tpu.scan <sum>, %scan3A_17#1 masked %reduce_sum3A_33 : vector<16xi32>, vector<16xi1> -> vector<16xi32>
      %reduce_sum3A_35 = vector.extract %reduce_sum3A_34[15] : i32 from vector<16xi32>
      %eq3A = arith.constant 0 : i32
      %eq3A_36 = vector.broadcast %eq3A : i32 to vector<16xi32>
      %eq3A_37 = arith.cmpi eq, %iota3A, %eq3A_36 : vector<16xi32>
      %eq3A_38 = arith.constant 1 : i32
      %eq3A_39 = vector.broadcast %eq3A_38 : i32 to vector<16xi32>
      %eq3A_40 = arith.cmpi eq, %iota3A, %eq3A_39 : vector<16xi32>
      %jit3A = arith.constant 0 : i32
      %broadcast_in_dim3A_41 = vector.broadcast %reduce_sum3A_35 : i32 to vector<16xi32>
      %broadcast_in_dim3A_42 = vector.broadcast %jit3A : i32 to vector<16xi32>
      %select_n3A = arith.select %eq3A_40, %broadcast_in_dim3A_41, %broadcast_in_dim3A_42 : vector<16xi1>, vector<16xi32>
      %broadcast_in_dim3A_43 = vector.broadcast %reduce_sum3A_31 : i32 to vector<16xi32>
      %select_n3A_44 = arith.select %eq3A_37, %broadcast_in_dim3A_43, %select_n3A : vector<16xi1>, vector<16xi32>
      %swap3A = arith.constant 0 : index
      %swap3A_45 = tpu.vector_load %arg7[%swap3A] {strides = array<i32>} : memref<16xi32, #tpu.memory_space<vmem>>, vector<16xi32>,
      tpu.vector_store %arg7[%swap3A], %select_n3A_44 {strides = array<i32>} : memref<16xi32, #tpu.memory_space<vmem>>, vector<16xi32>,
      %mul3A_46 = arith.constant 16 : i32
      %mul3A_47 = arith.muli %add3A, %mul3A_46 : i32
      "tpu.region"() ({
        %run_scoped3A = tpu.sem_alloc : memref<!tpu.dma_semaphore, #tpu.memory_space<semaphore_mem>>
        %dma_start3A = tpu.memref_slice %arg4[%mul3A_47] : memref<128xi32, #tpu.memory_space<hbm>> -> memref<16xi32, #tpu.memory_space<hbm>>
        %dma_start3A_48 = tpu.memref_slice %arg4[%mul3A_47] : memref<128xi32, #tpu.memory_space<hbm>> -> memref<16xi32, #tpu.memory_space<hbm>>
        tpu.enqueue_dma source(%arg7 : memref<16xi32, #tpu.memory_space<vmem>>) target(%dma_start3A_48 : memref<16xi32, #tpu.memory_space<hbm>>) target_semaphore(%run_scoped3A : memref<!tpu.dma_semaphore, #tpu.memory_space<semaphore_mem>>)
        %dma_wait3A = tpu.memref_slice %arg4[%mul3A_47] : memref<128xi32, #tpu.memory_space<hbm>> -> memref<16xi32, #tpu.memory_space<hbm>>
        %dma_wait3A_49 = tpu.memref_slice %arg4[%mul3A_47] : memref<128xi32, #tpu.memory_space<hbm>> -> memref<16xi32, #tpu.memory_space<hbm>>
        tpu.wait_dma2 semaphore(%run_scoped3A : memref<!tpu.dma_semaphore, #tpu.memory_space<semaphore_mem>>) src(%arg7 : memref<16xi32, #tpu.memory_space<vmem>>) dst(%dma_wait3A_49 : memref<16xi32, #tpu.memory_space<hbm>>)
        tpu.yield
      }) : () -> ()
    } else {
    }
    return
  }
}

</mosaic_0001>

<sc_bundles>
// kernel: spec_decode_sampler_patch_sc.3.cloned.1.call-start
scs
__scs_entry_jumppad:
0x0: {  	(pc) =	sbr.rel $0x88, $3  }
0x1: {  	(tag) =	ssettag $0x0;
	lr =	simm.s32 $0x1  }
0x2: {  	[smem:$0x3F9D] =	sst lr;
	_ =	strace $0xD0000000  }
0x3: {  	_ = 	snop  }
0x4: {  	_ = 	snop  }
0x5: {  	_ = 	snop  }
0x6: {  	_ = 	snop  }
0x7: {  	_ = 	snop  }
__scs_overlays_trampoline_lowered:
0x8: {  	[smem:$0x3FAC] =	sst s0  }
0x9: {  	[smem:$0x3FAD] =	sst s1  }
0xa: {  	[smem:$0x3FAE] =	sst s2  }
0xb: {  	[smem:$0x3FAF] =	sst s3  }
0xc: {  	[smem:$0x3FB0] =	sst s4  }
0xd: {  	[smem:$0x3FB1] =	sst s5  }
0xe: {  	[smem:$0x3FB2] =	sst s6  }
0xf: {  	[smem:$0x3FB3] =	sst s7  }
0x10: {  	[smem:$0x3FB4] =	sst s8  }
0x11: {  	[smem:$0x3FB5] =	sst s9;
	s0 =	simm.s32 @!p0 $0x0  }
0x12: {  	s1 =	sld [smem:$0x3F9B];
	s0 =	simm.s32 @p0 $0x1  }
0x13: {  	[smem:$0x3FB6] =	sst s0;
	s0 =	simm.s32 @!p1 $0x0  }
0x14: {  	s2 =	sld [smem:$0x3F9A];
	s0 =	simm.s32 @p1 $0x1  }
0x15: {  	[smem:$0x3FB7] =	sst s0;
	s0 =	simm.s32 @!p2 $0x0  }
0x16: {  	s3 =	sld [smem:$0x3FDB];
	s0 =	simm.s32 @p2 $0x1  }
0x17: {  	s4 =	simm.s32 $0x1BF5;
	[smem:$0x3FB9] =	sst s0  }
0x18: {  	s0 =	sld [smem:$0x3F9C];
	_ =	swait.ge [sflag:s4], $0x0  }
0x19: {  	s7 =	sld [smem:$0x3F9D]  }
0x1a: {  	s8 =	sadd.s32 $0xFFFFE003, lr  }
0x1b: {  	s9 =	sadd.s32 $0xFFFFFEF7, lr;
	s5 =	simm.s32 $0xFFFFFFFF;
	p2 =	slt.u32 s8, $0xFFFFF086  }
0x1c: {  	p1 =	slt.u32 s9, $0xF7A;
	s5 =	simm.s32 @!p2 $0x0  }
0x1d: {  	s5 =	simm.s32 @p1 $0x1;
	p0 =	seq.s32 s7, s2  }
0x1e: {  	s7 =	smul.u32 @!p0 $0xF7A, s2;
	p2 =	seq.s32 @!p0 s5, $0x0  }
0x1f: {  	s9 =	smul.u32 $0xF7A, s1;
	s8 =	simm.s32 @!p0 $0x1BF5;
	p2 =	por !p2, p0  }
0x20: {  	[sflag:s8] =	ssyncset.s32 @!p0 $0xFFFFF086;
	s6 =	sadd.s32 @!p0 s3, s7;
	s7 =	simm.s32 @!p0 $0x108  }
0x21: {  	s3 =	sadd.s32 s3, s9;
	s6 =	sadd.s32 @!p0 $0x88, s6;
	s7 =	simm.s32 @p2 $0x1082  }
0x22: {  	[simem:s7], [sflag:s8] =	dma.local @!p0 [hbm:s6], $0xF7A  }
0x23: {  	s9 =	sor.u32 $0xD0000000, s2;
	s6 =	simm.s32 $0x108;
	_ =	swait.ge @!p0 [sflag:s8], $0x0  }
0x24: {  	s3 =	sadd.s32 $0x88, s3;
	s6 =	simm.s32 @!p1 $0x1082;
	[sflag:s4] =	ssyncset.s32 $0xFFFFF086  }
0x25: {  	[simem:s6], [sflag:s4] =	dma.local [hbm:s3], $0xF7A  }
0x26: {  	[smem:$0x3F9D] =	sst s1;
	(tag) =	ssettag s2;
	_ =	strace s9  }
0x27: {  	s1 =	sld [smem:$0x3FAD]  }
0x28: {  	s2 =	sld [smem:$0x3FAE]  }
0x29: {  	s4 =	sld [smem:$0x3FB0]  }
0x2a: {  	p0 =	seq.s32 s5, $0x0;
	s5 =	sld [smem:$0x3FB1]  }
0x2b: {  	s6 =	sld [smem:$0x3FB2]  }
0x2c: {  	s7 =	sld [smem:$0x3FB3]  }
0x2d: {  	s3 =	simm.s32 $0x108;
	s8 =	sld [smem:$0x3FB4]  }
0x2e: {  	s3 =	simm.s32 @!p0 $0x1082;
	s9 =	sld [smem:$0x3FB5]  }
0x2f: {  	lr =	sadd.s32 s0, s3;
	s0 =	sld [smem:$0x3FAC]  }
0x30: {  	s3 =	sld [smem:$0x3FAF]  }
0x31: {  	[smem:$0x3FB8] =	sst s10  }
0x32: {  	s10 =	sld [smem:$0x3FB6];
	_ =	sdelay $0x3  }
0x33: {  	p0 =	seq.s32 s10, $0x1;
	s10 =	sld [smem:$0x3FB8];
	_ =	sdelay $0x3  }
0x34: {  	[smem:$0x3FB8] =	sst s10  }
0x35: {  	s10 =	sld [smem:$0x3FB7];
	_ =	sdelay $0x3  }
0x36: {  	p1 =	seq.s32 s10, $0x1;
	s10 =	sld [smem:$0x3FB8];
	_ =	sdelay $0x3  }
0x37: {  	[smem:$0x3FB8] =	sst s10  }
0x38: {  	s10 =	sld [smem:$0x3FB9]  }
0x39: {  	_ = 	snop;
	(pc) =	sbr.ind lr, $3  }
0x3a: {  	_ = 	snop  }
0x3b: {  	_ = 	snop  }
0x3c: {  	p2 =	seq.s32 s10, $0x1;
	s10 =	sld [smem:$0x3FB8]  }
0x3d: {  	_ =	shalt  }
0x3e: {  	_ =	shalt  }
0x3f: {  	_ =	shalt  }
0x40: {  	_ =	shalt  }
0x41: {  	_ =	shalt  }
0x42: {  	_ =	shalt  }
0x43: {  	_ =	shalt  }
0x44: {  	_ =	shalt  }
0x45: {  	_ =	shalt  }
0x46: {  	_ =	shalt  }
0x47: {  	_ =	shalt  }
0x48: {  	_ =	shalt  }
0x49: {  	_ =	shalt  }
0x4a: {  	_ =	shalt  }
0x4b: {  	_ =	shalt  }
0x4c: {  	_ =	shalt  }
0x4d: {  	_ =	shalt  }
0x4e: {  	_ =	shalt  }
0x4f: {  	_ =	shalt  }
0x50: {  	_ =	shalt  }
0x51: {  	_ =	shalt  }
0x52: {  	_ =	shalt  }
0x53: {  	_ =	shalt  }
0x54: {  	_ =	shalt  }
0x55: {  	_ =	shalt  }
0x56: {  	_ =	shalt  }
0x57: {  	_ =	shalt  }
0x58: {  	_ =	shalt  }
0x59: {  	_ =	shalt  }
0x5a: {  	_ =	shalt  }
0x5b: {  	_ =	shalt  }
0x5c: {  	_ =	shalt  }
0x5d: {  	_ =	shalt  }
0x5e: {  	_ =	shalt  }
0x5f: {  	_ =	shalt  }
0x60: {  	_ =	shalt  }
0x61: {  	_ =	shalt  }
0x62: {  	_ =	shalt  }
0x63: {  	_ =	shalt  }
0x64: {  	_ =	shalt  }
0x65: {  	_ =	shalt  }
0x66: {  	_ =	shalt  }
0x67: {  	_ =	shalt  }
0x68: {  	_ =	shalt  }
0x69: {  	_ =	shalt  }
0x6a: {  	_ =	shalt  }
0x6b: {  	_ =	shalt  }
0x6c: {  	_ =	shalt  }
0x6d: {  	_ =	shalt  }
0x6e: {  	_ =	shalt  }
0x6f: {  	_ =	shalt  }
0x70: {  	_ =	shalt  }
0x71: {  	_ =	shalt  }
0x72: {  	_ =	shalt  }
0x73: {  	_ =	shalt  }
0x74: {  	_ =	shalt  }
0x75: {  	_ =	shalt  }
0x76: {  	_ =	shalt  }
0x77: {  	_ =	shalt  }
0x78: {  	_ =	shalt  }
0x79: {  	_ =	shalt  }
0x7a: {  	_ =	shalt  }
0x7b: {  	_ =	shalt  }
0x7c: {  	_ =	shalt  }
0x7d: {  	_ =	shalt  }
0x7e: {  	_ =	shalt  }
0x7f: {  	_ =	shalt  }
0x80: {  	_ =	shalt  }
0x81: {  	_ =	shalt  }
0x82: {  	_ =	shalt  }
0x83: {  	_ =	shalt  }
0x84: {  	_ =	shalt  }
0x85: {  	_ =	shalt  }
0x86: {  	_ =	shalt  }
0x87: {  	_ =	shalt  }
.Lfunc_end0:
.L_simem_size_0:
called_computation_lowered:
.L_overlay_start_0:
0x88: {  	s2 =	sld [smem:$0x3FD9]  }
0x89: {  	s3 =	sld [smem:$0x3FFE];
	_ =	sdelay $0x1  }
0x8a: {  	s1 =	srdreg.scid  }
0x8b: {  	s0 =	sand.u32 $0x1, s1  }
0x8c: {  	s14 =	sshll.u32 s0, $0xA;
	s2 =	sadd.s32 s3, s2  }
0x8d: {  	s2 =	sadd.s32 s2, s14  }
0x8e: {  	[smem:$0x3FC4] =	sst s2  }
0x8f: {  	_ = 	snop  }
0x90: {  	s2 =	sld [smem:$0x3FD0];
	_ =	sdelay $0x2  }
0x91: {  	s15 =	simm.s32 $0xA;
	s4 =	simm.s32 $0x10  }
0x92: {  	[smem:s4], [sflag:s15] =	dma.local [hbm:s2], $0x1  }
0x93: {  	_ =	swait.eq [sflag:s15], $0x1  }
0x94: {  	[sflag:s15] =	ssyncset.done $0x0  }
0x95: {  	s16 =	sld [smem:$0x10];
	[sflag:s15] =	ssyncadd.s32 $0xFFFFFFFF  }
0x96: {  	s17 =	sld [smem:$0x13];
	(tm) =	ssettm $0x1  }
0x97: {  	s18 =	sld [smem:$0x3FFB];
	_ =	sdelay $0x3  }
0x98: {  	_ =	strace s18  }
0x99: {  	s4 =	sld [smem:$0x3FFC];
	_ =	sdelay $0x3  }
0x9a: {  	_ =	strace s4  }
0x9b: {  	s4 =	sld [smem:$0x3FFD];
	_ =	sdelay $0x3  }
0x9c: {  	_ =	strace s4  }
0x9d: {  	_ =	strace $0x8FFFFFFF  }
0x9e: {  	s19 =	sld [smem:$0x3FDB];
	_ =	sdelay $0x1  }
0x9f: {  	s5 =	simm.s32 $_scs_section_size  }
0xa0: {  	s6 =	simm.s32 $_size__tile_overlayer_lowered;
	s7 =	simm.s32 $_tile_overlayer_lowered  }
0xa1: {  	s22 =	simm.s32 $0x1BFF;
	s21 =	sshll.u32 s7, $0x1;
	s4 =	sadd.s32 s5, s19  }
0xa2: {  	s8 =	simm.s32 $0x0;
	s20 =	sshll.u32 s6, $0x1;
	s6 =	sadd.s32 s21, s4  }
0xa3: {  	[timem:s8], [sflag:s22] =	dma.local [hbm:s6], s20  }
0xa4: {  	_ =	swait.ge [sflag:s22], s20  }
0xa5: {  	s5 =	ssub.s32 $0x0, s20;
	[sflag:s22] =	ssyncset.done $0x0  }
0xa6: {  	[sflag:s22] =	ssyncadd.s32 s5;
	_ =	sdelay $0x1  }
0xa7: {  	s23 =	simm.s32 $0x1B8B  }
0xa8: {  	_ =	swait.ge [sflag:s23], $0x1  }
0xa9: {  	[sflag:s23] =	ssyncset.done $0x0  }
0xaa: {  	s25 =	simm.s32 $0x1B8E;
	s24 =	sld [smem:$0x3FFE];
	[sflag:s23] =	ssyncadd.s32 $0xFFFFFFFF  }
0xab: {  	s26 =	simm.s32 $execute0_lowered;
	[smem:$0x3FD2] =	sst s25  }
0xac: {  	s6 =	sshll.u32 s26, $0x1;
	_ =	strace $0x80000046;
	[dreg:$0x1] =	wrdreg $0xFFFFFFFF  }
0xad: {  	s28 =	simm.s32 $_size_execute0_lowered;
	s4 =	sadd.s32 s4, s6;
	[dreg:$0x0] =	wrdreg $0x0  }
0xae: {  	s6 =	sshll.u32 s28, $0x1;
	[dreg:$0x2] =	wrdreg s4  }
0xaf: {  	[dreg:$0x3] =	wrdreg s6  }
0xb0: {  	[dreg:$0x4] =	wrdreg $0xC0  }
0xb1: {  	_ =	task [dreg:s8], $0x5FFFF  }
0xb2: {  	[dreg:$0x1] =	wrdreg $0xFFFFFFFF  }
0xb3: {  	[dreg:$0x0] =	wrdreg $0x60  }
0xb4: {  	[dreg:$0x2] =	wrdreg s24  }
0xb5: {  	[dreg:$0x3] =	wrdreg s16  }
0xb6: {  	[dreg:$0x4] =	wrdreg s17  }
0xb7: {  	[dreg:$0x5] =	wrdreg $0x9  }
0xb8: {  	_ =	task.clear_ibuf [dreg:s8], $0x6FFFF;
	_ =	strace $0x90000046  }
0xb9: {  	s29 =	simm.s32 $0x9;
	_ =	strace $0x80000048  }
0xba: {  	_ =	swait.ge [sflag:s29], $0x1  }
0xbb: {  	[sflag:s29] =	ssyncadd.s32 $0xFFFFFFFF  }
0xbc: {  	_ =	strace $0x90000048  }
0xbd: {  	_ =	sfence  }
0xbe: {  	s30 =	sld [smem:$0x0];
	_ =	sdelay $0x2  }
0xbf: {  	s31 =	sshll.u32 s1, $0xD;
	s1 =	sshrl.u32 s1, $0x2  }
0xc0: {  	s3 =	sand.u32 $0x4000, s31;
	s1 =	sadd.s32 s1, s30  }
0xc1: {  	s0 =	sor.u32 s3, s0;
	s1 =	sshll.u32 s1, $0x11  }
0xc2: {  	s0 =	sor.u32 s1, s0  }
0xc3: {  	s0 =	sadd.s32 $0x8F2B, s0  }
0xc4: {  	[sflag:s0] =	ssyncadd.remote.s32 $0x1  }
0xc5: {  	_ =	sfence.sel $0xFFFF  }
0xc6: {  	[dreg:$0x0] =	wrdreg $0xFFFFFFFF;
	(pc) =	sbr.abs _section_cstart, $3  }
0xc7: {  	[dreg:$0x1] =	wrdreg $0xFFFFFFFF  }
0xc8: {  	_ =	task.clear_ibuf [dreg:s8], $0x2FFFF;
	_ =	strace $0x9FFFFFFF  }
0xc9: {  	(tm) =	ssettm $0x7FFFFFFF  }
tec
execute0_lowered:
.L_overlay_start_1:
0x0: {  	(tag) =	ssettag $0x1  }
0x1: {  	s1 =	stileid.u32  }
0x2: {  	p0 =	sgt.u32 s1, $0x3  }
.Ltmp0:
0x3: {  	s5 =	rddreg [dreg:$0x0];
	(pc) =	sbr.rel @p0 .LBB2_5-.Ltmp0, $4  }
0x4: {  	s3 =	rddreg [dreg:$0x1]  }
0x5: {  	s4 =	rddreg [dreg:$0x2];
	s2 =	simm.s32 $0x0  }
0x6: {  	[smem:$0x7FF] =	sst s2  }
0x7: {  	s0 =	rddreg [dreg:$0x3];
	_ =	strace $0x80000047  }
0x8: {  	s6 =	srdreg.scid  }
0x9: {  	s7 =	sshll.u32 s1, $0x1;
	s6 =	sand.u32 $0x1, s6  }
0xa: {  	s7 =	sor.u32 s6, s7  }
0xb: {  	s5 =	sadd.s32 $0x600, s5;
	s6 =	ssub.s32 $0x2, s6;
	s8 =	smul.u32 $0x12, s7  }
0xc: {  	v1 =	vlaneseq.u32;
	s9 =	sshll.u32 s7, $0x1;
	s10 =	sshrl.u32 s6, $0x1;
	s7 =	smul.u32 $0x32, s7  }
0xd: {  	v0 =	vmul.u32 $0x8, v1;
	v1 =	vmul.u32 $0x9, v1;
	s4 =	sadd.s32 s4, s9;
	s6 =	ssub.s32 s6, s10;
	s9 =	simm.s32 $0x300  }
0xe: {  	vm0 =	vcmask $0x704;
	vm1 =	vcmask $0x3F04;
	s10 =	simm.s32 $0x0;
	s3 =	sadd.s32 s3, s8;
	s5 =	sadd.s32 s5, s7  }
0xf: {  	v2 =	vor.u32 $0x80, v0;
	v3 =	vor.u32 $0x100, v0;
	v4 =	vadd.s32 $0x8, v1;
	s6 =	smax.u32 s6, $0x1;
	s7 =	simm.s32 $0x1;
	s8 =	simm.s32 $0x200  }
.LBB2_2:
0x10: {  	s12 =	simm.s32 $0x0  }
0x11: {  	v5 =	vor.u32 s12, v0  }
0x12: {  	[tilespmem:s12], [sflag:$0x1] =	stream.linear.gather [hbm4b:s5+s12], $0x190, $0x38;
	[tilespmem:$0x380] =	vst v63  }
0x13: {  	v6 =	vor.u32 s12, v2;
	_ =	swait.ge [sflag:s7], $0x190  }
0x14: {  	v7 =	vor.u32 s12, v3;
	[sflag:s7] =	ssyncset.done $0x0  }
0x15: {  	[sflag:s7] =	ssyncadd.s32 $0xFFFFFE70  }
0x16: {  	v5 =	vld.idx.msk [tilespmem:v5+s2+$0x0], $0xffff;
	_ =	sdelay $0x1  }
0x17: {  	v6 =	vld.idx.msk [tilespmem:v6+s2+$0x0], $0xffff  }
0x18: {  	v12 =	vld.idx.msk [tilespmem:v7+s2+$0x0], $0xffff  }
0x19: {  	v8 =	vimm.s32 $0x1  }
0x1a: {  	v7 =	vmul.u32 v8, v5  }
0x1b: {  	v13 =	vimm.s32 $0x0;
	s11 =	simm.s32 $0x1;
	v9 =	vadd.s32 s12, v1  }
0x1c: {  	v10 =	vor.u32 s11, v0;
	v14 =	vsub.s32 v8, v7;
	v11 =	vmul.u32 v6, v7  }
0x1d: {  	s12 =	simm.s32 $0x2;
	v5 =	vadd.s32 v13, v5;
	v6 =	vadd.s32 v13, v7;
	v12 =	vmul.u32 v12, v14  }
.LBB2_3:
0x1e: {  	p0 =	sne.s32 s12, $0x7;
	v11 =	vadd.s32 v11, v8;
	v8 =	vmov v7  }
0x1f: {  	v13 =	vor.u32 s11, v2;
	v11 =	vadd.s32 v12, v11  }
0x20: {  	v12 =	vor.u32 s11, v3;
	v11 =	vadd.s32 $0xFFFFFFFF, v11  }
0x21: {  	[tilespmem:v9+s8+$0x0] =	vst.idx.msk $0xffff, v11  }
0x22: {  	v9 =	vld.idx.msk [tilespmem:v10+s2+$0x0], $0xffff;
	_ =	sdelay $0x1  }
0x23: {  	v10 =	vld.idx.msk [tilespmem:v13+s2+$0x0], $0xffff  }
0x24: {  	v12 =	vld.idx.msk [tilespmem:v12+s2+$0x0], $0xffff;
	_ =	sdelay $0x1  }
.Ltmp1:
0x25: {  	(pc) =	sbr.rel @p0 .LBB2_3-.Ltmp1, $3  }
0x26: {  	v7 =	vmul.u32 v7, v9;
	v5 =	vadd.s32 v5, v9;
	_ =	sdelay $0x1  }
0x27: {  	v9 =	vadd.s32 s11, v1;
	s11 =	smov.u32 s12;
	v13 =	vsub.s32 v8, v7;
	v11 =	vmul.u32 v10, v7  }
0x28: {  	s12 =	sadd.s32 $0x1, s12;
	v10 =	vor.u32 s11, v0;
	v6 =	vadd.s32 v6, v7;
	v12 =	vmul.u32 v12, v13  }
0x29: {  	_ = 	snop  }
0x2a: {  	v8 =	vadd.s32 v11, v8  }
0x2b: {  	v59 =	vor.u32 s11, v2;
	v8 =	vadd.s32 v12, v8  }
0x2c: {  	v60 =	vor.u32 s11, v3;
	v8 =	vadd.s32 $0xFFFFFFFF, v8  }
0x2d: {  	[tilespmem:v9+s8+$0x0] =	vst.idx.msk $0xffff, v8  }
0x2e: {  	v8 =	vld.idx.msk [tilespmem:v10+s2+$0x0], $0xffff;
	_ =	sdelay $0x1  }
0x2f: {  	v9 =	vld.idx.msk [tilespmem:v59+s2+$0x0], $0xffff  }
0x30: {  	v61 =	vld.idx.msk [tilespmem:v60+s2+$0x0], $0xffff;
	_ =	sdelay $0x1  }
0x31: {  	v62 =	vmul.u32 v7, v8;
	_ =	sdelay $0x1  }
0x32: {  	v13 =	vadd.s32 s11, v1;
	v63 =	vsub.s32 v7, v62;
	v9 =	vmul.u32 v9, v62  }
0x33: {  	v10 =	vmul.u32 v61, v63  }
0x34: {  	v7 =	vadd.s32 v9, v7  }
0x35: {  	v7 =	vadd.s32 v10, v7  }
0x36: {  	v7 =	vadd.s32 $0xFFFFFFFF, v7  }
0x37: {  	[tilespmem:v13+s8+$0x0] =	vst.idx.msk $0xffff, v7  }
0x38: {  	v7 =	vld [tilespmem:$0x180];
	_ =	sdelay $0x4  }
0x39: {  	v7 =	vmul.u32 v62, v7;
	_ =	sdelay $0x1  }
0x3a: {  	v7 =	vadd.s32 v7, v62  }
0x3b: {  	v7 =	vadd.s32 $0xFFFFFFFF, v7  }
0x3c: {  	[tilespmem:v4+s8+$0x0] =	vst.idx.msk $0xffff, v7  }
0x3d: {  	[hbm4b:s3+s2] =	stream.linear.scatter [tilespmem:s8], [sflag:$0x1], $0x90, $0x38;
	[tilespmem:$0x380] =	vst v63  }
0x3e: {  	v5 =	vadd.s32 v5, v8;
	_ =	swait.ge [sflag:s7], $0x90  }
0x3f: {  	v6 =	vadd.s32 v6, v62;
	(xrf0) =	vadd.scan.msk.s32 $0xffff, v5  }
0x40: {  	(xrf0) =	vadd.scan.msk.s32 $0xffff, v6;
	_ =	sdelay $0x4  }
0x41: {  	v5, _, _ =	vpop (xrf0)  }
0x42: {  	v6, _, _ =	vpop (xrf0)  }
0x43: {  	v6 =	vbroadcast v6, $0xF  }
0x44: {  	v5 =	vbroadcast v5, $0xF  }
0x45: {  	s10 =	sadd.s32 $0x1, s10;
	[sflag:s7] =	ssyncset.done $0x0;
	v6 =	vnsel vm0, $0x0, v6  }
0x46: {  	p0 =	sne.s32 s10, s6;
	[sflag:s7] =	ssyncadd.s32 $0xFFFFFF70;
	v5 =	vsel vm1, v6, v5  }
.Ltmp2:
0x47: {  	[tilespmem:$0x300] =	vst v5;
	(pc) =	sbr.rel @p0 .LBB2_2-.Ltmp2, $4  }
0x48: {  	[hbm4b:s4+s2] =	stream.linear.scatter [tilespmem:s9], [sflag:$0x1], $0x10, $0x38;
	[tilespmem:$0x380] =	vst v63  }
0x49: {  	_ =	swait.ge [sflag:s7], $0x10  }
0x4a: {  	[sflag:s7] =	ssyncset.done $0x0  }
0x4b: {  	[sflag:s7] =	ssyncadd.s32 $0xFFFFFFF0  }
.LBB2_5:
0x4c: {  	_ =	sfence.sel $0x180000  }
0x4d: {  	[bflag:$0x0] =	sbarrier.arrive $0xFFFF  }
0x4e: {  	p0 =	sne.s32 s1, $0x0;
	_ =	strace $0x90000047  }
0x4f: {  	s0 =	sadd.s32 @!p0 $0x100000, s0;
	[bflag:$0x2] =	sbarrier.arrive $0xFFFF  }
0x50: {  	[sflag:s0] =	ssyncadd.tile.s32 @!p0 $0x1;
	_ =	shalt  }
.Lfunc_end2:
_tile_overlayer_lowered:
.L_overlay_start_2:
0x51: {  	(tag) =	ssettag $0x2  }
0x52: {  	s0 =	rddreg [dreg:$0x0];
	s2 =	stileid.u32  }
0x53: {  	s1 =	rddreg [dreg:$0x1];
	p0 =	sne.s32 s2, $0x0  }
0x54: {  	s3 =	rddreg [dreg:$0x2];
	[bflag:$0x3] =	sbarrier.arrive $0xFFFF;
	s2 =	simm.s32 @!p0 $0x1C01  }
0x55: {  	[timem:s3], [sflag:s2] =	dma.local @!p0 [hbm:s0], s1  }
0x56: {  	s0 =	simm.s32 @!p0 $0x1  }
0x57: {  	_ =	swait.ge @!p0 [sflag:s0], s1  }
0x58: {  	s1 =	ssub.s32 @!p0 $0x0, s1;
	[sflag:s0] =	ssyncset.done @!p0 $0x0  }
0x59: {  	[sflag:s0] =	ssyncadd.s32 @!p0 s1  }
0x5a: {  	[bflag:$0x3] =	sbarrier.arrive $0xFFFF  }
0x5b: {  	_ =	shalt  }

</sc_bundles>
